<compile_context>
chip_gen: v7x
topology: tpu7x:2x2x1
jax: 0.10.2.dev20260603
libtpu: 0.0.44.dev20260713+nightly
codegen_flags: <defaults>
</compile_context>

<pallas_src>
import functools

import jax
import jax.numpy as jnp
from jax import lax
from jax.experimental import pallas as pl
from jax.experimental.pallas import tpu as pltpu
from jax.experimental.pallas import tpu_sc as plsc

N = 16384
C = 1000
S = 8
GP = 8192

COLS = 2048
GRID = N // COLS

NSUB = 16
PERH = N // NSUB
BPW = GP // NSUB
HCH = PERH // 128


def _sc_w_body(t_hbm, s_hbm, w_hbm,
               t_v, s_v, gid2d, ones_v, zeros_v, cnt_v, w_v, sem,
               shared_cnt):
    cid = lax.axis_index("c")
    sid = lax.axis_index("s")

    one16 = jnp.full((16,), 1.0, jnp.float32)
    zero16 = jnp.zeros((16,), jnp.float32)

    hbase = sid * PERH
    pltpu.sync_copy(t_hbm.at[pl.ds(hbase, PERH)], t_v)
    pltpu.sync_copy(s_hbm.at[pl.ds(hbase, PERH)], s_v)

    def _fill_ones(i, _):
        ones_v[pl.ds(i * 16, 16)] = one16
        return 0

    def _fill_zeros(i, _):
        zeros_v[pl.ds(i * 16, 16)] = zero16
        return 0

    def _gid(k, _):
        t16 = t_v[pl.ds(k * 16, 16)]
        s16 = s_v[pl.ds(k * 16, 16)]
        gid2d[k // 8, pl.ds((k % 8) * 16, 16)] = t16 * S + s16
        return 0

    lax.fori_loop(0, 8, _fill_ones, 0, unroll=False)
    lax.fori_loop(0, BPW // 16, _fill_zeros, 0, unroll=False)
    pltpu.sync_copy(zeros_v, shared_cnt.at[pl.ds(sid * BPW, BPW)])
    lax.fori_loop(0, PERH // 16, _gid, 0, unroll=False)

    plsc.subcore_barrier()

    def _scat(j, _):
        pltpu.sync_copy(ones_v, shared_cnt.at[gid2d.at[j]], add=True)
        return 0

    lax.fori_loop(0, HCH, _scat, 0, unroll=False)
    plsc.subcore_barrier()

    del cid

    def _gath(j, _):
        pltpu.sync_copy(shared_cnt.at[gid2d.at[j]], cnt_v.at[j])
        return 0

    def _recip(k, _):
        c16 = cnt_v[k // 8, pl.ds((k % 8) * 16, 16)]
        w_v[pl.ds(k * 16, 16)] = 1.0 / c16
        return 0

    lax.fori_loop(0, HCH, _gath, 0, unroll=False)
    lax.fori_loop(0, PERH // 16, _recip, 0, unroll=False)
    pltpu.sync_copy(w_v, w_hbm.at[pl.ds(hbase, PERH)])


def _sc_weights(targets, subgroup_inf):
    mesh = plsc.VectorSubcoreMesh(core_axis_name="c", subcore_axis_name="s",
                                  num_cores=1)
    f = functools.partial(
        pl.kernel,
        out_type=jax.ShapeDtypeStruct((N,), jnp.float32),
        mesh=mesh,
        scratch_types=[
            pltpu.VMEM((PERH,), jnp.int32),
            pltpu.VMEM((PERH,), jnp.int32),
            pltpu.VMEM((HCH, 128), jnp.int32),
            pltpu.VMEM((128,), jnp.float32),
            pltpu.VMEM((BPW,), jnp.float32),
            pltpu.VMEM((HCH, 128), jnp.float32),
            pltpu.VMEM((PERH,), jnp.float32),
            pltpu.SemaphoreType.DMA,
            pltpu.VMEM_SHARED((GP,), jnp.float32),
        ],
    )(_sc_w_body)
    return f(targets, subgroup_inf)


def _tc_body(x_ref, t_ref, o_ref):
    x = x_ref[...]
    t = t_ref[...]
    ones = jnp.ones((1, C), jnp.float32)
    m = jnp.max(x, axis=0, keepdims=True)
    e = jnp.exp(x - m)
    row = lax.broadcasted_iota(jnp.int32, (C, COLS), 0)
    px = jnp.where(row == t, x, 0.0)
    ssum = jnp.dot(ones, e, preferred_element_type=jnp.float32)
    picked = jnp.dot(ones, px, preferred_element_type=jnp.float32)
    o_ref[...] = m + jnp.log(ssum) - picked


def _tc_loss(logits_t, targets):
    return pl.pallas_call(
        _tc_body,
        grid=(GRID,),
        in_specs=[
            pl.BlockSpec((C, COLS), lambda i: (0, i)),
            pl.BlockSpec((1, COLS), lambda i: (0, i)),
        ],
        out_specs=pl.BlockSpec((1, COLS), lambda i: (0, i)),
        out_shape=jax.ShapeDtypeStruct((1, N), jnp.float32),
    )(logits_t, targets[None, :])


def _tc_dot_body(l_ref, w_ref, o_ref):
    o_ref[...] = jnp.sum(l_ref[...] * w_ref[...]).reshape(1, 1)


def _tc_dot(loss, w):
    return pl.pallas_call(
        _tc_dot_body,
        in_specs=[
            pl.BlockSpec((1, N), lambda: (0, 0)),
            pl.BlockSpec((1, N), lambda: (0, 0)),
        ],
        out_specs=pl.BlockSpec((1, 1), lambda: (0, 0)),
        out_shape=jax.ShapeDtypeStruct((1, 1), jnp.float32),
    )(loss, w[None, :])


def kernel(logits, targets, subgroup_inf):
    w = _sc_weights(targets, subgroup_inf)
    loss = _tc_loss(logits.T, targets)
    tot = _tc_dot(loss, w)
    return tot.reshape(())

# --- scband reference (transcript-rebuilt; emitter-appended) ---
"""Pipeline reference for scband-online-reweighting-loss-6073083757069 (READ-ONLY COPY).

The authoritative reference and input builder live on the scoring server;
editing this copy changes nothing except your own understanding.
"""

import jax, jax.numpy as jnp
import numpy as np

N = 16384
C = 1000
S = 8

def setup_inputs(seed: int = 0) -> dict:
    key = jax.random.key(seed)
    k1, k2, k3 = jax.random.split(key, 3)
    logits = jax.random.normal(k1, (N, C), dtype=jnp.float32)
    targets = jax.random.randint(k2, (N,), 0, C, dtype=jnp.int32)
    subgroup_inf = jax.random.randint(k3, (N,), 0, S, dtype=jnp.int32)
    return {"logits": logits, "targets": targets, "subgroup_inf": subgroup_inf}

def reference(logits, targets, subgroup_inf):
    # Per-sample cross-entropy (reduction='none'), same math as nn.CrossEntropyLoss
    logZ = jax.scipy.special.logsumexp(logits, axis=-1)
    picked = jnp.take_along_axis(logits, targets[:, None], axis=-1)[:, 0]
    unweighted_loss = logZ - picked
    # Online reweighting: each sample's loss divided by the size of its
    # (target, subgroup) group, then summed. Equivalent to the torch double
    # loop over unique (y, s) pairs dividing masked entries by mask.sum().
    gid = targets * S + subgroup_inf
    counts = jnp.bincount(gid, length=C * S)
    w = 1.0 / counts[gid].astype(logits.dtype)
    return jnp.sum(unweighted_loss * w)

if __name__ == "__main__":
    import jax
    _d = setup_inputs()
    print(jax.jit(kernel)(*tuple(_d.values())))

</pallas_src>

<mosaic_0001>
#map = affine_map<(d0, d1) -> (0)>
module attributes {stable_mosaic.version = 14 : i64} {
  func.func @_sc_w_body(%arg0: i32, %arg1: i32, %arg2: memref<16384xi32, #tpu.memory_space<hbm>>, %arg3: memref<16384xi32, #tpu.memory_space<hbm>>, %arg4: memref<16384xf32, #tpu.memory_space<hbm>>, %arg5: memref<1024xi32, #tpu.memory_space<vmem>>, %arg6: memref<1024xi32, #tpu.memory_space<vmem>>, %arg7: memref<8x128xi32, #tpu.memory_space<vmem>>, %arg8: memref<128xf32, #tpu.memory_space<vmem>>, %arg9: memref<512xf32, #tpu.memory_space<vmem>>, %arg10: memref<8x128xf32, #tpu.memory_space<vmem>>, %arg11: memref<1024xf32, #tpu.memory_space<vmem>>, %arg12: memref<!tpu.dma_semaphore, #tpu.memory_space<semaphore_mem>>, %arg13: memref<8192xf32, #tpu.memory_space<vmem_shared>>) attributes {dimension_semantics = [#tpu.dimension_semantics<core_parallel>, #tpu.dimension_semantics<subcore_parallel>], iteration_bounds = array<i64: 1, 16>, scalar_prefetch = 0 : i64, scratch_operands = 9 : i64, tpu.core_type = #tpu.core_type<sc_vector_subcore>, window_params = [{transform_indices = #map}, {transform_indices = #map}, {transform_indices = #map}]} {
    %broadcast_in_dim3A = arith.constant 1.000000e+00 : f32
    %broadcast_in_dim3A_0 = vector.broadcast %broadcast_in_dim3A : f32 to vector<16xf32>
    %broadcast_in_dim3A_1 = arith.constant 0.000000e+00 : f32
    %broadcast_in_dim3A_2 = vector.broadcast %broadcast_in_dim3A_1 : f32 to vector<16xf32>
    %mul3A = arith.constant 1024 : i32
    %mul3A_3 = arith.muli %arg1, %mul3A : i32
    "tpu.region"() ({
      %run_scoped3A = tpu.sem_alloc : memref<!tpu.dma_semaphore, #tpu.memory_space<semaphore_mem>>
      %dma_start3A = tpu.memref_slice %arg2[%mul3A_3] : memref<16384xi32, #tpu.memory_space<hbm>> -> memref<1024xi32, #tpu.memory_space<hbm>>
      %dma_start3A_48 = tpu.memref_slice %arg2[%mul3A_3] : memref<16384xi32, #tpu.memory_space<hbm>> -> memref<1024xi32, #tpu.memory_space<hbm>>
      tpu.enqueue_dma source(%dma_start3A_48 : memref<1024xi32, #tpu.memory_space<hbm>>) target(%arg5 : memref<1024xi32, #tpu.memory_space<vmem>>) target_semaphore(%run_scoped3A : memref<!tpu.dma_semaphore, #tpu.memory_space<semaphore_mem>>)
      %dma_wait3A = tpu.memref_slice %arg2[%mul3A_3] : memref<16384xi32, #tpu.memory_space<hbm>> -> memref<1024xi32, #tpu.memory_space<hbm>>
      %dma_wait3A_49 = tpu.memref_slice %arg2[%mul3A_3] : memref<16384xi32, #tpu.memory_space<hbm>> -> memref<1024xi32, #tpu.memory_space<hbm>>
      tpu.wait_dma2 semaphore(%run_scoped3A : memref<!tpu.dma_semaphore, #tpu.memory_space<semaphore_mem>>) src(%dma_wait3A_49 : memref<1024xi32, #tpu.memory_space<hbm>>) dst(%arg5 : memref<1024xi32, #tpu.memory_space<vmem>>)
      tpu.yield
    }) : () -> ()
    "tpu.region"() ({
      %run_scoped3A = tpu.sem_alloc : memref<!tpu.dma_semaphore, #tpu.memory_space<semaphore_mem>>
      %dma_start3A = tpu.memref_slice %arg3[%mul3A_3] : memref<16384xi32, #tpu.memory_space<hbm>> -> memref<1024xi32, #tpu.memory_space<hbm>>
      %dma_start3A_48 = tpu.memref_slice %arg3[%mul3A_3] : memref<16384xi32, #tpu.memory_space<hbm>> -> memref<1024xi32, #tpu.memory_space<hbm>>
      tpu.enqueue_dma source(%dma_start3A_48 : memref<1024xi32, #tpu.memory_space<hbm>>) target(%arg6 : memref<1024xi32, #tpu.memory_space<vmem>>) target_semaphore(%run_scoped3A : memref<!tpu.dma_semaphore, #tpu.memory_space<semaphore_mem>>)
      %dma_wait3A = tpu.memref_slice %arg3[%mul3A_3] : memref<16384xi32, #tpu.memory_space<hbm>> -> memref<1024xi32, #tpu.memory_space<hbm>>
      %dma_wait3A_49 = tpu.memref_slice %arg3[%mul3A_3] : memref<16384xi32, #tpu.memory_space<hbm>> -> memref<1024xi32, #tpu.memory_space<hbm>>
      tpu.wait_dma2 semaphore(%run_scoped3A : memref<!tpu.dma_semaphore, #tpu.memory_space<semaphore_mem>>) src(%dma_wait3A_49 : memref<1024xi32, #tpu.memory_space<hbm>>) dst(%arg6 : memref<1024xi32, #tpu.memory_space<vmem>>)
      tpu.yield
    }) : () -> ()
    %scan3A = arith.constant 0 : i32
    %scan3A_4 = arith.constant 0 : i32
    %scan3A_5 = arith.constant 8 : i32
    %scan3A_6 = arith.addi %scan3A_4, %scan3A_5 : i32
    %scan3A_7 = arith.constant 1 : i32
    %scan3A_8 = scf.for %scan3A_48 = %scan3A_4 to %scan3A_6 step %scan3A_7 iter_args(%scan3A_49 = %scan3A) -> (i32)  : i32 {
      %mul3A_50 = arith.constant 16 : i32
      %mul3A_51 = arith.muli %scan3A_48, %mul3A_50 : i32
      %swap3A = arith.index_cast %mul3A_51 : i32 to index
      %swap3A_52 = tpu.vector_load %arg8[%swap3A] {strides = array<i32>} : memref<128xf32, #tpu.memory_space<vmem>>, vector<16xf32>,
      %swap3A_53 = vector.shape_cast %swap3A_52 : vector<16xf32> to vector<16xf32>
      %swap3A_54 = vector.shape_cast %broadcast_in_dim3A_0 : vector<16xf32> to vector<16xf32>
      tpu.vector_store %arg8[%swap3A], %swap3A_54 {strides = array<i32>} : memref<128xf32, #tpu.memory_space<vmem>>, vector<16xf32>,
      %scan3A_55 = arith.constant 0 : i32
      scf.yield %scan3A_55 : i32
    }
    %scan3A_9 = arith.constant 8 : i32
    %scan3A_10 = arith.constant 0 : i32
    %scan3A_11 = arith.constant 0 : i32
    %scan3A_12 = arith.constant 32 : i32
    %scan3A_13 = arith.addi %scan3A_11, %scan3A_12 : i32
    %scan3A_14 = arith.constant 1 : i32
    %scan3A_15 = scf.for %scan3A_48 = %scan3A_11 to %scan3A_13 step %scan3A_14 iter_args(%scan3A_49 = %scan3A_10) -> (i32)  : i32 {
      %mul3A_50 = arith.constant 16 : i32
      %mul3A_51 = arith.muli %scan3A_48, %mul3A_50 : i32
      %swap3A = arith.index_cast %mul3A_51 : i32 to index
      %swap3A_52 = tpu.vector_load %arg9[%swap3A] {strides = array<i32>} : memref<512xf32, #tpu.memory_space<vmem>>, vector<16xf32>,
      %swap3A_53 = vector.shape_cast %swap3A_52 : vector<16xf32> to vector<16xf32>
      %swap3A_54 = vector.shape_cast %broadcast_in_dim3A_2 : vector<16xf32> to vector<16xf32>
      tpu.vector_store %arg9[%swap3A], %swap3A_54 {strides = array<i32>} : memref<512xf32, #tpu.memory_space<vmem>>, vector<16xf32>,
      %scan3A_55 = arith.constant 0 : i32
      scf.yield %scan3A_55 : i32
    }
    %scan3A_16 = arith.constant 32 : i32
    %mul3A_17 = arith.constant 512 : i32
    %mul3A_18 = arith.muli %arg1, %mul3A_17 : i32
    "tpu.region"() ({
      %run_scoped3A = tpu.sem_alloc : memref<!tpu.dma_semaphore, #tpu.memory_space<semaphore_mem>>
      %dma_start3A = tpu.memref_slice %arg13[%mul3A_18] : memref<8192xf32, #tpu.memory_space<vmem_shared>> -> memref<512xf32, #tpu.memory_space<vmem_shared>>
      %dma_start3A_48 = tpu.memref_slice %arg13[%mul3A_18] : memref<8192xf32, #tpu.memory_space<vmem_shared>> -> memref<512xf32, #tpu.memory_space<vmem_shared>>
      tpu.enqueue_dma source(%arg9 : memref<512xf32, #tpu.memory_space<vmem>>) target(%dma_start3A_48 : memref<512xf32, #tpu.memory_space<vmem_shared>>) target_semaphore(%run_scoped3A : memref<!tpu.dma_semaphore, #tpu.memory_space<semaphore_mem>>)
      %dma_wait3A = tpu.memref_slice %arg13[%mul3A_18] : memref<8192xf32, #tpu.memory_space<vmem_shared>> -> memref<512xf32, #tpu.memory_space<vmem_shared>>
      %dma_wait3A_49 = tpu.memref_slice %arg13[%mul3A_18] : memref<8192xf32, #tpu.memory_space<vmem_shared>> -> memref<512xf32, #tpu.memory_space<vmem_shared>>
      tpu.wait_dma2 semaphore(%run_scoped3A : memref<!tpu.dma_semaphore, #tpu.memory_space<semaphore_mem>>) src(%arg9 : memref<512xf32, #tpu.memory_space<vmem>>) dst(%dma_wait3A_49 : memref<512xf32, #tpu.memory_space<vmem_shared>>)
      tpu.yield
    }) : () -> ()
    %scan3A_19 = arith.constant 0 : i32
    %scan3A_20 = arith.constant 0 : i32
    %scan3A_21 = arith.constant 64 : i32
    %scan3A_22 = arith.addi %scan3A_20, %scan3A_21 : i32
    %scan3A_23 = arith.constant 1 : i32
    %scan3A_24 = scf.for %scan3A_48 = %scan3A_20 to %scan3A_22 step %scan3A_23 iter_args(%scan3A_49 = %scan3A_19) -> (i32)  : i32 {
      %mul3A_50 = arith.constant 16 : i32
      %mul3A_51 = arith.muli %scan3A_48, %mul3A_50 : i32
      %get3A = arith.index_cast %mul3A_51 : i32 to index
      %get3A_52 = tpu.vector_load %arg5[%get3A] {strides = array<i32>} : memref<1024xi32, #tpu.memory_space<vmem>>, vector<16xi32>,
      %get3A_53 = vector.shape_cast %get3A_52 : vector<16xi32> to vector<16xi32>
      %mul3A_54 = arith.constant 16 : i32
      %mul3A_55 = arith.muli %scan3A_48, %mul3A_54 : i32
      %get3A_56 = arith.index_cast %mul3A_55 : i32 to index
      %get3A_57 = tpu.vector_load %arg6[%get3A_56] {strides = array<i32>} : memref<1024xi32, #tpu.memory_space<vmem>>, vector<16xi32>,
      %get3A_58 = vector.shape_cast %get3A_57 : vector<16xi32> to vector<16xi32>
      %mul3A_59 = arith.constant 8 : i32
      %mul3A_60 = vector.broadcast %mul3A_59 : i32 to vector<16xi32>
      %mul3A_61 = arith.muli %get3A_53, %mul3A_60 : vector<16xi32>
      %add3A = arith.addi %mul3A_61, %get3A_58 : vector<16xi32>
      %jit3A = arith.constant 8 : i32
      %div3A = arith.divsi %scan3A_48, %jit3A : i32
      %sign3A = arith.constant 0 : i32
      %sign3A_62 = arith.cmpi sgt, %scan3A_48, %sign3A : i32
      %sign3A_63 = arith.extui %sign3A_62 : i1 to i32
      %sign3A_64 = arith.constant 0 : i32
      %sign3A_65 = arith.cmpi slt, %scan3A_48, %sign3A_64 : i32
      %sign3A_66 = arith.extui %sign3A_65 : i1 to i32
      %sign3A_67 = arith.subi %sign3A_63, %sign3A_66 : i32
      %sign3A_68 = arith.constant 0 : i32
      %sign3A_69 = arith.cmpi sgt, %jit3A, %sign3A_68 : i32
      %sign3A_70 = arith.extui %sign3A_69 : i1 to i32
      %sign3A_71 = arith.constant 0 : i32
      %sign3A_72 = arith.cmpi slt, %jit3A, %sign3A_71 : i32
      %sign3A_73 = arith.extui %sign3A_72 : i1 to i32
      %sign3A_74 = arith.subi %sign3A_70, %sign3A_73 : i32
      %ne3A = arith.cmpi ne, %sign3A_67, %sign3A_74 : i32
      %rem3A = arith.remsi %scan3A_48, %jit3A : i32
      %ne3A_75 = arith.constant 0 : i32
      %ne3A_76 = arith.cmpi ne, %rem3A, %ne3A_75 : i32
      %and3A = arith.andi %ne3A, %ne3A_76 : i1
      %sub3A = arith.constant 1 : i32
      %sub3A_77 = arith.subi %div3A, %sub3A : i32
      %select_n3A = arith.select %and3A, %sub3A_77, %div3A : i32
      %jit3A_78 = arith.constant 8 : i32
      %eq3A = arith.constant 0 : i32
      %eq3A_79 = arith.cmpi eq, %jit3A_78, %eq3A : i32
      %jit3A_80 = arith.constant 1 : i32
      %select_n3A_81 = arith.select %eq3A_79, %jit3A_80, %jit3A_78 : i32
      %rem3A_82 = arith.remsi %scan3A_48, %select_n3A_81 : i32
      %ne3A_83 = arith.constant 0 : i32
      %ne3A_84 = arith.cmpi ne, %rem3A_82, %ne3A_83 : i32
      %lt3A = arith.constant 0 : i32
      %lt3A_85 = arith.cmpi slt, %rem3A_82, %lt3A : i32
      %lt3A_86 = arith.constant 0 : i32
      %lt3A_87 = arith.cmpi slt, %select_n3A_81, %lt3A_86 : i32
      %ne3A_88 = arith.xori %lt3A_85, %lt3A_87 : i1
      %and3A_89 = arith.andi %ne3A_88, %ne3A_84 : i1
      %add3A_90 = arith.addi %rem3A_82, %select_n3A_81 : i32
      %select_n3A_91 = arith.select %and3A_89, %add3A_90, %rem3A_82 : i32
      %mul3A_92 = arith.constant 16 : i32
      %mul3A_93 = arith.muli %select_n3A_91, %mul3A_92 : i32
      %swap3A = arith.index_cast %select_n3A : i32 to index
      %swap3A_94 = arith.index_cast %mul3A_93 : i32 to index
      %swap3A_95 = tpu.vector_load %arg7[%swap3A, %swap3A_94] {strides = array<i32>} : memref<8x128xi32, #tpu.memory_space<vmem>>, vector<1x16xi32>,
      %swap3A_96 = vector.shape_cast %swap3A_95 : vector<1x16xi32> to vector<16xi32>
      %swap3A_97 = vector.shape_cast %add3A : vector<16xi32> to vector<1x16xi32>
      tpu.vector_store %arg7[%swap3A, %swap3A_94], %swap3A_97 {strides = array<i32>} : memref<8x128xi32, #tpu.memory_space<vmem>>, vector<1x16xi32>,
      %scan3A_98 = arith.constant 0 : i32
      scf.yield %scan3A_98 : i32
    }
    %scan3A_25 = arith.constant 64 : i32
    %barrier3A = arith.constant 0 : index
    tpu.barrier barrier_id(%barrier3A)
    %scan3A_26 = arith.constant 0 : i32
    %scan3A_27 = arith.constant 0 : i32
    %scan3A_28 = arith.constant 8 : i32
    %scan3A_29 = arith.addi %scan3A_27, %scan3A_28 : i32
    %scan3A_30 = arith.constant 1 : i32
    %scan3A_31 = scf.for %scan3A_48 = %scan3A_27 to %scan3A_29 step %scan3A_30 iter_args(%scan3A_49 = %scan3A_26) -> (i32)  : i32 {
      "tpu.region"() ({
        %run_scoped3A = tpu.sem_alloc : memref<!tpu.dma_semaphore, #tpu.memory_space<semaphore_mem>>
        %dma_start3A = arith.constant 0 : i32
        %dma_start3A_51 = tpu.memref_slice %arg7[%scan3A_48, %dma_start3A] : memref<8x128xi32, #tpu.memory_space<vmem>> -> memref<1x128xi32, #tpu.memory_space<vmem>>
        %dma_start3A_52 = tpu.memref_squeeze %dma_start3A_51 : memref<1x128xi32, #tpu.memory_space<vmem>> -> memref<128xi32, #tpu.memory_space<vmem>>
        %dma_start3A_53 = arith.constant 0 : i32
        %dma_start3A_54 = tpu.memref_slice %arg13[%dma_start3A_53] : memref<8192xf32, #tpu.memory_space<vmem_shared>> -> memref<8192xf32, #tpu.memory_space<vmem_shared>>
        tpu.enqueue_indirect_dma source(%arg8 : memref<128xf32, #tpu.memory_space<vmem>>) target(%dma_start3A_54 : memref<8192xf32, #tpu.memory_space<vmem_shared>>) offsets(%dma_start3A_52 : memref<128xi32, #tpu.memory_space<vmem>>) semaphore(%run_scoped3A : memref<!tpu.dma_semaphore, #tpu.memory_space<semaphore_mem>>) {add = true}
        %dma_wait3A = arith.constant 0 : i32
        %dma_wait3A_55 = tpu.memref_slice %arg7[%scan3A_48, %dma_wait3A] : memref<8x128xi32, #tpu.memory_space<vmem>> -> memref<1x128xi32, #tpu.memory_space<vmem>>
        %dma_wait3A_56 = tpu.memref_squeeze %dma_wait3A_55 : memref<1x128xi32, #tpu.memory_space<vmem>> -> memref<128xi32, #tpu.memory_space<vmem>>
        %dma_wait3A_57 = arith.constant 0 : i32
        %dma_wait3A_58 = tpu.memref_slice %arg13[%dma_wait3A_57] : memref<8192xf32, #tpu.memory_space<vmem_shared>> -> memref<8192xf32, #tpu.memory_space<vmem_shared>>
        tpu.wait_indirect_dma semaphore(%run_scoped3A : memref<!tpu.dma_semaphore, #tpu.memory_space<semaphore_mem>>) src(%arg8 : memref<128xf32, #tpu.memory_space<vmem>>) dst(%dma_wait3A_58 : memref<8192xf32, #tpu.memory_space<vmem_shared>>)
        tpu.yield
      }) : () -> ()
      %scan3A_50 = arith.constant 0 : i32
      scf.yield %scan3A_50 : i32
    }
    %scan3A_32 = arith.constant 8 : i32
    %barrier3A_33 = arith.constant 0 : index
    tpu.barrier barrier_id(%barrier3A_33)
    %scan3A_34 = arith.constant 0 : i32
    %scan3A_35 = arith.constant 0 : i32
    %scan3A_36 = arith.constant 8 : i32
    %scan3A_37 = arith.addi %scan3A_35, %scan3A_36 : i32
    %scan3A_38 = arith.constant 1 : i32
    %scan3A_39 = scf.for %scan3A_48 = %scan3A_35 to %scan3A_37 step %scan3A_38 iter_args(%scan3A_49 = %scan3A_34) -> (i32)  : i32 {
      "tpu.region"() ({
        %run_scoped3A = tpu.sem_alloc : memref<!tpu.dma_semaphore, #tpu.memory_space<semaphore_mem>>
        %dma_start3A = arith.constant 0 : i32
        %dma_start3A_51 = tpu.memref_slice %arg10[%scan3A_48, %dma_start3A] : memref<8x128xf32, #tpu.memory_space<vmem>> -> memref<1x128xf32, #tpu.memory_space<vmem>>
        %dma_start3A_52 = tpu.memref_squeeze %dma_start3A_51 : memref<1x128xf32, #tpu.memory_space<vmem>> -> memref<128xf32, #tpu.memory_space<vmem>>
        %dma_start3A_53 = arith.constant 0 : i32
        %dma_start3A_54 = tpu.memref_slice %arg7[%scan3A_48, %dma_start3A_53] : memref<8x128xi32, #tpu.memory_space<vmem>> -> memref<1x128xi32, #tpu.memory_space<vmem>>
        %dma_start3A_55 = tpu.memref_squeeze %dma_start3A_54 : memref<1x128xi32, #tpu.memory_space<vmem>> -> memref<128xi32, #tpu.memory_space<vmem>>
        %dma_start3A_56 = arith.constant 0 : i32
        %dma_start3A_57 = tpu.memref_slice %arg13[%dma_start3A_56] : memref<8192xf32, #tpu.memory_space<vmem_shared>> -> memref<8192xf32, #tpu.memory_space<vmem_shared>>
        tpu.enqueue_indirect_dma source(%dma_start3A_57 : memref<8192xf32, #tpu.memory_space<vmem_shared>>) target(%dma_start3A_52 : memref<128xf32, #tpu.memory_space<vmem>>) offsets(%dma_start3A_55 : memref<128xi32, #tpu.memory_space<vmem>>) semaphore(%run_scoped3A : memref<!tpu.dma_semaphore, #tpu.memory_space<semaphore_mem>>)
        %dma_wait3A = arith.constant 0 : i32
        %dma_wait3A_58 = tpu.memref_slice %arg10[%scan3A_48, %dma_wait3A] : memref<8x128xf32, #tpu.memory_space<vmem>> -> memref<1x128xf32, #tpu.memory_space<vmem>>
        %dma_wait3A_59 = tpu.memref_squeeze %dma_wait3A_58 : memref<1x128xf32, #tpu.memory_space<vmem>> -> memref<128xf32, #tpu.memory_space<vmem>>
        %dma_wait3A_60 = arith.constant 0 : i32
        %dma_wait3A_61 = tpu.memref_slice %arg7[%scan3A_48, %dma_wait3A_60] : memref<8x128xi32, #tpu.memory_space<vmem>> -> memref<1x128xi32, #tpu.memory_space<vmem>>
        %dma_wait3A_62 = tpu.memref_squeeze %dma_wait3A_61 : memref<1x128xi32, #tpu.memory_space<vmem>> -> memref<128xi32, #tpu.memory_space<vmem>>
        %dma_wait3A_63 = arith.constant 0 : i32
        %dma_wait3A_64 = tpu.memref_slice %arg13[%dma_wait3A_63] : memref<8192xf32, #tpu.memory_space<vmem_shared>> -> memref<8192xf32, #tpu.memory_space<vmem_shared>>
        tpu.wait_indirect_dma semaphore(%run_scoped3A : memref<!tpu.dma_semaphore, #tpu.memory_space<semaphore_mem>>) src(%dma_wait3A_64 : memref<8192xf32, #tpu.memory_space<vmem_shared>>) dst(%dma_wait3A_59 : memref<128xf32, #tpu.memory_space<vmem>>)
        tpu.yield
      }) : () -> ()
      %scan3A_50 = arith.constant 0 : i32
      scf.yield %scan3A_50 : i32
    }
    %scan3A_40 = arith.constant 8 : i32
    %scan3A_41 = arith.constant 0 : i32
    %scan3A_42 = arith.constant 0 : i32
    %scan3A_43 = arith.constant 64 : i32
    %scan3A_44 = arith.addi %scan3A_42, %scan3A_43 : i32
    %scan3A_45 = arith.constant 1 : i32
    %scan3A_46 = scf.for %scan3A_48 = %scan3A_42 to %scan3A_44 step %scan3A_45 iter_args(%scan3A_49 = %scan3A_41) -> (i32)  : i32 {
      %jit3A = arith.constant 8 : i32
      %div3A = arith.divsi %scan3A_48, %jit3A : i32
      %sign3A = arith.constant 0 : i32
      %sign3A_50 = arith.cmpi sgt, %scan3A_48, %sign3A : i32
      %sign3A_51 = arith.extui %sign3A_50 : i1 to i32
      %sign3A_52 = arith.constant 0 : i32
      %sign3A_53 = arith.cmpi slt, %scan3A_48, %sign3A_52 : i32
      %sign3A_54 = arith.extui %sign3A_53 : i1 to i32
      %sign3A_55 = arith.subi %sign3A_51, %sign3A_54 : i32
      %sign3A_56 = arith.constant 0 : i32
      %sign3A_57 = arith.cmpi sgt, %jit3A, %sign3A_56 : i32
      %sign3A_58 = arith.extui %sign3A_57 : i1 to i32
      %sign3A_59 = arith.constant 0 : i32
      %sign3A_60 = arith.cmpi slt, %jit3A, %sign3A_59 : i32
      %sign3A_61 = arith.extui %sign3A_60 : i1 to i32
      %sign3A_62 = arith.subi %sign3A_58, %sign3A_61 : i32
      %ne3A = arith.cmpi ne, %sign3A_55, %sign3A_62 : i32
      %rem3A = arith.remsi %scan3A_48, %jit3A : i32
      %ne3A_63 = arith.constant 0 : i32
      %ne3A_64 = arith.cmpi ne, %rem3A, %ne3A_63 : i32
      %and3A = arith.andi %ne3A, %ne3A_64 : i1
      %sub3A = arith.constant 1 : i32
      %sub3A_65 = arith.subi %div3A, %sub3A : i32
      %select_n3A = arith.select %and3A, %sub3A_65, %div3A : i32
      %jit3A_66 = arith.constant 8 : i32
      %eq3A = arith.constant 0 : i32
      %eq3A_67 = arith.cmpi eq, %jit3A_66, %eq3A : i32
      %jit3A_68 = arith.constant 1 : i32
      %select_n3A_69 = arith.select %eq3A_67, %jit3A_68, %jit3A_66 : i32
      %rem3A_70 = arith.remsi %scan3A_48, %select_n3A_69 : i32
      %ne3A_71 = arith.constant 0 : i32
      %ne3A_72 = arith.cmpi ne, %rem3A_70, %ne3A_71 : i32
      %lt3A = arith.constant 0 : i32
      %lt3A_73 = arith.cmpi slt, %rem3A_70, %lt3A : i32
      %lt3A_74 = arith.constant 0 : i32
      %lt3A_75 = arith.cmpi slt, %select_n3A_69, %lt3A_74 : i32
      %ne3A_76 = arith.xori %lt3A_73, %lt3A_75 : i1
      %and3A_77 = arith.andi %ne3A_76, %ne3A_72 : i1
      %add3A = arith.addi %rem3A_70, %select_n3A_69 : i32
      %select_n3A_78 = arith.select %and3A_77, %add3A, %rem3A_70 : i32
      %mul3A_79 = arith.constant 16 : i32
      %mul3A_80 = arith.muli %select_n3A_78, %mul3A_79 : i32
      %get3A = arith.index_cast %select_n3A : i32 to index
      %get3A_81 = arith.index_cast %mul3A_80 : i32 to index
      %get3A_82 = tpu.vector_load %arg10[%get3A, %get3A_81] {strides = array<i32>} : memref<8x128xf32, #tpu.memory_space<vmem>>, vector<1x16xf32>,
      %get3A_83 = vector.shape_cast %get3A_82 : vector<1x16xf32> to vector<16xf32>
      %div3A_84 = arith.constant 1.000000e+00 : f32
      %div3A_85 = vector.broadcast %div3A_84 : f32 to vector<16xf32>
      %div3A_86 = arith.divf %div3A_85, %get3A_83 : vector<16xf32>
      %mul3A_87 = arith.constant 16 : i32
      %mul3A_88 = arith.muli %scan3A_48, %mul3A_87 : i32
      %swap3A = arith.index_cast %mul3A_88 : i32 to index
      %swap3A_89 = tpu.vector_load %arg11[%swap3A] {strides = array<i32>} : memref<1024xf32, #tpu.memory_space<vmem>>, vector<16xf32>,
      %swap3A_90 = vector.shape_cast %swap3A_89 : vector<16xf32> to vector<16xf32>
      %swap3A_91 = vector.shape_cast %div3A_86 : vector<16xf32> to vector<16xf32>
      tpu.vector_store %arg11[%swap3A], %swap3A_91 {strides = array<i32>} : memref<1024xf32, #tpu.memory_space<vmem>>, vector<16xf32>,
      %scan3A_92 = arith.constant 0 : i32
      scf.yield %scan3A_92 : i32
    }
    %scan3A_47 = arith.constant 64 : i32
    "tpu.region"() ({
      %run_scoped3A = tpu.sem_alloc : memref<!tpu.dma_semaphore, #tpu.memory_space<semaphore_mem>>
      %dma_start3A = tpu.memref_slice %arg4[%mul3A_3] : memref<16384xf32, #tpu.memory_space<hbm>> -> memref<1024xf32, #tpu.memory_space<hbm>>
      %dma_start3A_48 = tpu.memref_slice %arg4[%mul3A_3] : memref<16384xf32, #tpu.memory_space<hbm>> -> memref<1024xf32, #tpu.memory_space<hbm>>
      tpu.enqueue_dma source(%arg11 : memref<1024xf32, #tpu.memory_space<vmem>>) target(%dma_start3A_48 : memref<1024xf32, #tpu.memory_space<hbm>>) target_semaphore(%run_scoped3A : memref<!tpu.dma_semaphore, #tpu.memory_space<semaphore_mem>>)
      %dma_wait3A = tpu.memref_slice %arg4[%mul3A_3] : memref<16384xf32, #tpu.memory_space<hbm>> -> memref<1024xf32, #tpu.memory_space<hbm>>
      %dma_wait3A_49 = tpu.memref_slice %arg4[%mul3A_3] : memref<16384xf32, #tpu.memory_space<hbm>> -> memref<1024xf32, #tpu.memory_space<hbm>>
      tpu.wait_dma2 semaphore(%run_scoped3A : memref<!tpu.dma_semaphore, #tpu.memory_space<semaphore_mem>>) src(%arg11 : memref<1024xf32, #tpu.memory_space<vmem>>) dst(%dma_wait3A_49 : memref<1024xf32, #tpu.memory_space<hbm>>)
      tpu.yield
    }) : () -> ()
    return
  }
}

module attributes {stable_mosaic.version = 14 : i64} {
  func.func @_tc_dot_body(%arg0: memref<1x16384xf32, #tpu.memory_space<vmem>>, %arg1: memref<1x16384xf32, #tpu.memory_space<vmem>>, %arg2: memref<1x1xf32, #tpu.memory_space<vmem>>) attributes {dimension_semantics = [], scalar_prefetch = 0 : i64, scratch_operands = 0 : i64, tpu.core_type = #tpu.core_type<tc>} {
    %get3A = arith.constant 0 : index
    %get3A_0 = arith.constant 0 : index
    %get3A_1 = vector.load %arg0[%get3A, %get3A_0] : memref<1x16384xf32, #tpu.memory_space<vmem>>, vector<1x16384xf32>
    %get3A_2 = arith.constant 0 : index
    %get3A_3 = arith.constant 0 : index
    %get3A_4 = vector.load %arg1[%get3A_2, %get3A_3] : memref<1x16384xf32, #tpu.memory_space<vmem>>, vector<1x16384xf32>
    %mul3A = arith.mulf %get3A_1, %get3A_4 : vector<1x16384xf32>
    %reduce_sum3A = vector.shape_cast %mul3A : vector<1x16384xf32> to vector<1x1x16384xf32>
    %reduce_sum3A_5 = arith.constant dense<0.000000e+00> : vector<1xf32>
    %reduce_sum3A_6 = vector.multi_reduction <add>, %reduce_sum3A, %reduce_sum3A_5 [1, 2] : vector<1x1x16384xf32> to vector<1xf32>
    %reduce_sum3A_7 = vector.shape_cast %reduce_sum3A_6 : vector<1xf32> to vector<1x1x1xf32>
    %reduce_sum3A_8 = vector.extract %reduce_sum3A_7[0, 0, 0] : f32 from vector<1x1x1xf32>
    %reshape3A = vector.broadcast %reduce_sum3A_8 : f32 to vector<1x1xf32>
    %swap3A = arith.constant 0 : index
    %swap3A_9 = arith.constant 0 : index
    %swap3A_10 = vector.load %arg2[%swap3A, %swap3A_9] : memref<1x1xf32, #tpu.memory_space<vmem>>, vector<1x1xf32>
    tpu.vector_store %arg2[%swap3A, %swap3A_9], %reshape3A {strides = array<i32>} : memref<1x1xf32, #tpu.memory_space<vmem>>, vector<1x1xf32>,
    return
  }
}

module attributes {stable_mosaic.version = 14 : i64} {
  func.func @_tc_body(%arg0: i32, %arg1: memref<1000x2048xf32, #tpu.memory_space<vmem>>, %arg2: memref<1x2048xi32, #tpu.memory_space<vmem>>, %arg3: memref<1x2048xf32, #tpu.memory_space<vmem>>) attributes {dimension_semantics = [#tpu.dimension_semantics<arbitrary>], iteration_bounds = array<i64: 8>, scalar_prefetch = 0 : i64, scratch_operands = 0 : i64, tpu.core_type = #tpu.core_type<tc>, window_params = [{transform_indices = @transform_0, window_bounds = array<i64: 1000, 2048>}, {transform_indices = @transform_1, window_bounds = array<i64: 1, 2048>}, {transform_indices = @transform_2, window_bounds = array<i64: 1, 2048>}]} {
    %get3A = arith.constant 0 : index
    %get3A_0 = arith.constant 0 : index
    %get3A_1 = vector.load %arg1[%get3A, %get3A_0] : memref<1000x2048xf32, #tpu.memory_space<vmem>>, vector<1000x2048xf32>
    %get3A_2 = arith.constant 0 : index
    %get3A_3 = arith.constant 0 : index
    %get3A_4 = vector.load %arg2[%get3A_2, %get3A_3] : memref<1x2048xi32, #tpu.memory_space<vmem>>, vector<1x2048xi32>
    %broadcast_in_dim3A = arith.constant 1.000000e+00 : f32
    %broadcast_in_dim3A_5 = vector.broadcast %broadcast_in_dim3A : f32 to vector<1x1000xf32>
    %reduce_max3A = arith.constant dense<0xFF800000> : vector<2048xf32>
    %reduce_max3A_6 = vector.multi_reduction <maximumf>, %get3A_1, %reduce_max3A [0] : vector<1000x2048xf32> to vector<2048xf32>
    %broadcast_in_dim3A_7 = vector.shape_cast %reduce_max3A_6 : vector<2048xf32> to vector<1x2048xf32>
    %sub3A = vector.broadcast %broadcast_in_dim3A_7 : vector<1x2048xf32> to vector<1000x2048xf32>
    %sub3A_8 = arith.subf %get3A_1, %sub3A : vector<1000x2048xf32>
    %exp3A = math.exp %sub3A_8 : vector<1000x2048xf32>
    %iota3A = tpu.iota {dimensions = array<i32: 0>} : vector<1000x2048xi32>
    %eq3A = vector.broadcast %get3A_4 : vector<1x2048xi32> to vector<1000x2048xi32>
    %eq3A_9 = arith.cmpi eq, %iota3A, %eq3A : vector<1000x2048xi32>
    %jit3A = arith.constant 0.000000e+00 : f32
    %broadcast_in_dim3A_10 = vector.broadcast %jit3A : f32 to vector<1000x2048xf32>
    %select_n3A = arith.select %eq3A_9, %get3A_1, %broadcast_in_dim3A_10 : vector<1000x2048xi1>, vector<1000x2048xf32>
    %dot_general3A = arith.constant dense<0.000000e+00> : vector<1x2048xf32>
    %dot_general3A_11 = tpu.matmul %broadcast_in_dim3A_5, %exp3A, %dot_general3A {dimension_numbers = #tpu.dot_dimension_numbers<[1], [0], [0], [1], [0, 0, 1, 1], [], []>, transpose_lhs_hint = false} : vector<1x1000xf32>, vector<1000x2048xf32>, vector<1x2048xf32> -> vector<1x2048xf32>
    %dot_general3A_12 = arith.constant dense<0.000000e+00> : vector<1x2048xf32>
    %dot_general3A_13 = tpu.matmul %broadcast_in_dim3A_5, %select_n3A, %dot_general3A_12 {dimension_numbers = #tpu.dot_dimension_numbers<[1], [0], [0], [1], [0, 0, 1, 1], [], []>, transpose_lhs_hint = false} : vector<1x1000xf32>, vector<1000x2048xf32>, vector<1x2048xf32> -> vector<1x2048xf32>
    %log3A = math.log %dot_general3A_11 : vector<1x2048xf32>
    %add3A = arith.addf %broadcast_in_dim3A_7, %log3A : vector<1x2048xf32>
    %sub3A_14 = arith.subf %add3A, %dot_general3A_13 : vector<1x2048xf32>
    %swap3A = arith.constant 0 : index
    %swap3A_15 = arith.constant 0 : index
    %swap3A_16 = vector.load %arg3[%swap3A, %swap3A_15] : memref<1x2048xf32, #tpu.memory_space<vmem>>, vector<1x2048xf32>
    tpu.vector_store %arg3[%swap3A, %swap3A_15], %sub3A_14 {strides = array<i32>} : memref<1x2048xf32, #tpu.memory_space<vmem>>, vector<1x2048xf32>,
    return
  }
  func.func @transform_0(%arg0: i32) -> (i32, i32) {
    %c0_i32 = arith.constant 0 : i32
    %c0_i32_0 = arith.constant 0 : i32
    return %c0_i32, %arg0 : i32, i32
  }
  func.func @transform_1(%arg0: i32) -> (i32, i32) {
    %c0_i32 = arith.constant 0 : i32
    %c0_i32_0 = arith.constant 0 : i32
    return %c0_i32, %arg0 : i32, i32
  }
  func.func @transform_2(%arg0: i32) -> (i32, i32) {
    %c0_i32 = arith.constant 0 : i32
    %c0_i32_0 = arith.constant 0 : i32
    return %c0_i32, %arg0 : i32, i32
  }
}

</mosaic_0001>

<sc_bundles>
// kernel: kernel.5.cloned.1.call-start
scs
__scs_entry_jumppad:
0x0: {  	(pc) =	sbr.rel $0x88, $3  }
0x1: {  	(tag) =	ssettag $0x0;
	lr =	simm.s32 $0x1  }
0x2: {  	[smem:$0x3F9E] =	sst lr;
	_ =	strace $0xD0000000  }
0x3: {  	_ = 	snop  }
0x4: {  	_ = 	snop  }
0x5: {  	_ = 	snop  }
0x6: {  	_ = 	snop  }
0x7: {  	_ = 	snop  }
__scs_overlays_trampoline_lowered:
0x8: {  	[smem:$0x3FAD] =	sst s0  }
0x9: {  	[smem:$0x3FAE] =	sst s1  }
0xa: {  	[smem:$0x3FAF] =	sst s2  }
0xb: {  	[smem:$0x3FB0] =	sst s3  }
0xc: {  	[smem:$0x3FB1] =	sst s4  }
0xd: {  	[smem:$0x3FB2] =	sst s5  }
0xe: {  	[smem:$0x3FB3] =	sst s6  }
0xf: {  	[smem:$0x3FB4] =	sst s7  }
0x10: {  	[smem:$0x3FB5] =	sst s8  }
0x11: {  	[smem:$0x3FB6] =	sst s9;
	s0 =	simm.s32 @!p0 $0x0  }
0x12: {  	s1 =	sld [smem:$0x3F9C];
	s0 =	simm.s32 @p0 $0x1  }
0x13: {  	[smem:$0x3FB7] =	sst s0;
	s0 =	simm.s32 @!p1 $0x0  }
0x14: {  	s2 =	sld [smem:$0x3F9B];
	s0 =	simm.s32 @p1 $0x1  }
0x15: {  	[smem:$0x3FB8] =	sst s0;
	s0 =	simm.s32 @!p2 $0x0  }
0x16: {  	s3 =	sld [smem:$0x3FDB];
	s0 =	simm.s32 @p2 $0x1  }
0x17: {  	s4 =	simm.s32 $0x1BF5;
	[smem:$0x3FBA] =	sst s0  }
0x18: {  	s0 =	sld [smem:$0x3F9D];
	_ =	swait.ge [sflag:s4], $0x0  }
0x19: {  	s7 =	sld [smem:$0x3F9E]  }
0x1a: {  	s8 =	sadd.s32 $0xFFFFE003, lr  }
0x1b: {  	s9 =	sadd.s32 $0xFFFFFEF7, lr;
	s5 =	simm.s32 $0xFFFFFFFF;
	p2 =	slt.u32 s8, $0xFFFFF086  }
0x1c: {  	p1 =	slt.u32 s9, $0xF7A;
	s5 =	simm.s32 @!p2 $0x0  }
0x1d: {  	s5 =	simm.s32 @p1 $0x1;
	p0 =	seq.s32 s7, s2  }
0x1e: {  	s7 =	smul.u32 @!p0 $0xF7A, s2;
	p2 =	seq.s32 @!p0 s5, $0x0  }
0x1f: {  	s9 =	smul.u32 $0xF7A, s1;
	s8 =	simm.s32 @!p0 $0x1BF5;
	p2 =	por !p2, p0  }
0x20: {  	[sflag:s8] =	ssyncset.s32 @!p0 $0xFFFFF086;
	s6 =	sadd.s32 @!p0 s3, s7;
	s7 =	simm.s32 @!p0 $0x108  }
0x21: {  	s3 =	sadd.s32 s3, s9;
	s6 =	sadd.s32 @!p0 $0x88, s6;
	s7 =	simm.s32 @p2 $0x1082  }
0x22: {  	[simem:s7], [sflag:s8] =	dma.local @!p0 [hbm:s6], $0xF7A  }
0x23: {  	s9 =	sor.u32 $0xD0000000, s2;
	s6 =	simm.s32 $0x108;
	_ =	swait.ge @!p0 [sflag:s8], $0x0  }
0x24: {  	s3 =	sadd.s32 $0x88, s3;
	s6 =	simm.s32 @!p1 $0x1082;
	[sflag:s4] =	ssyncset.s32 $0xFFFFF086  }
0x25: {  	[simem:s6], [sflag:s4] =	dma.local [hbm:s3], $0xF7A  }
0x26: {  	[smem:$0x3F9E] =	sst s1;
	(tag) =	ssettag s2;
	_ =	strace s9  }
0x27: {  	s1 =	sld [smem:$0x3FAE]  }
0x28: {  	s2 =	sld [smem:$0x3FAF]  }
0x29: {  	s4 =	sld [smem:$0x3FB1]  }
0x2a: {  	p0 =	seq.s32 s5, $0x0;
	s5 =	sld [smem:$0x3FB2]  }
0x2b: {  	s6 =	sld [smem:$0x3FB3]  }
0x2c: {  	s7 =	sld [smem:$0x3FB4]  }
0x2d: {  	s3 =	simm.s32 $0x108;
	s8 =	sld [smem:$0x3FB5]  }
0x2e: {  	s3 =	simm.s32 @!p0 $0x1082;
	s9 =	sld [smem:$0x3FB6]  }
0x2f: {  	lr =	sadd.s32 s0, s3;
	s0 =	sld [smem:$0x3FAD]  }
0x30: {  	s3 =	sld [smem:$0x3FB0]  }
0x31: {  	[smem:$0x3FB9] =	sst s10  }
0x32: {  	s10 =	sld [smem:$0x3FB7];
	_ =	sdelay $0x3  }
0x33: {  	p0 =	seq.s32 s10, $0x1;
	s10 =	sld [smem:$0x3FB9];
	_ =	sdelay $0x3  }
0x34: {  	[smem:$0x3FB9] =	sst s10  }
0x35: {  	s10 =	sld [smem:$0x3FB8];
	_ =	sdelay $0x3  }
0x36: {  	p1 =	seq.s32 s10, $0x1;
	s10 =	sld [smem:$0x3FB9];
	_ =	sdelay $0x3  }
0x37: {  	[smem:$0x3FB9] =	sst s10  }
0x38: {  	s10 =	sld [smem:$0x3FBA]  }
0x39: {  	_ = 	snop;
	(pc) =	sbr.ind lr, $3  }
0x3a: {  	_ = 	snop  }
0x3b: {  	_ = 	snop  }
0x3c: {  	p2 =	seq.s32 s10, $0x1;
	s10 =	sld [smem:$0x3FB9]  }
0x3d: {  	_ =	shalt  }
0x3e: {  	_ =	shalt  }
0x3f: {  	_ =	shalt  }
0x40: {  	_ =	shalt  }
0x41: {  	_ =	shalt  }
0x42: {  	_ =	shalt  }
0x43: {  	_ =	shalt  }
0x44: {  	_ =	shalt  }
0x45: {  	_ =	shalt  }
0x46: {  	_ =	shalt  }
0x47: {  	_ =	shalt  }
0x48: {  	_ =	shalt  }
0x49: {  	_ =	shalt  }
0x4a: {  	_ =	shalt  }
0x4b: {  	_ =	shalt  }
0x4c: {  	_ =	shalt  }
0x4d: {  	_ =	shalt  }
0x4e: {  	_ =	shalt  }
0x4f: {  	_ =	shalt  }
0x50: {  	_ =	shalt  }
0x51: {  	_ =	shalt  }
0x52: {  	_ =	shalt  }
0x53: {  	_ =	shalt  }
0x54: {  	_ =	shalt  }
0x55: {  	_ =	shalt  }
0x56: {  	_ =	shalt  }
0x57: {  	_ =	shalt  }
0x58: {  	_ =	shalt  }
0x59: {  	_ =	shalt  }
0x5a: {  	_ =	shalt  }
0x5b: {  	_ =	shalt  }
0x5c: {  	_ =	shalt  }
0x5d: {  	_ =	shalt  }
0x5e: {  	_ =	shalt  }
0x5f: {  	_ =	shalt  }
0x60: {  	_ =	shalt  }
0x61: {  	_ =	shalt  }
0x62: {  	_ =	shalt  }
0x63: {  	_ =	shalt  }
0x64: {  	_ =	shalt  }
0x65: {  	_ =	shalt  }
0x66: {  	_ =	shalt  }
0x67: {  	_ =	shalt  }
0x68: {  	_ =	shalt  }
0x69: {  	_ =	shalt  }
0x6a: {  	_ =	shalt  }
0x6b: {  	_ =	shalt  }
0x6c: {  	_ =	shalt  }
0x6d: {  	_ =	shalt  }
0x6e: {  	_ =	shalt  }
0x6f: {  	_ =	shalt  }
0x70: {  	_ =	shalt  }
0x71: {  	_ =	shalt  }
0x72: {  	_ =	shalt  }
0x73: {  	_ =	shalt  }
0x74: {  	_ =	shalt  }
0x75: {  	_ =	shalt  }
0x76: {  	_ =	shalt  }
0x77: {  	_ =	shalt  }
0x78: {  	_ =	shalt  }
0x79: {  	_ =	shalt  }
0x7a: {  	_ =	shalt  }
0x7b: {  	_ =	shalt  }
0x7c: {  	_ =	shalt  }
0x7d: {  	_ =	shalt  }
0x7e: {  	_ =	shalt  }
0x7f: {  	_ =	shalt  }
0x80: {  	_ =	shalt  }
0x81: {  	_ =	shalt  }
0x82: {  	_ =	shalt  }
0x83: {  	_ =	shalt  }
0x84: {  	_ =	shalt  }
0x85: {  	_ =	shalt  }
0x86: {  	_ =	shalt  }
0x87: {  	_ =	shalt  }
.Lfunc_end0:
.L_simem_size_0:
called_computation_lowered:
.L_overlay_start_0:
0x88: {  	s0 =	sld [smem:$0x3FD9]  }
0x89: {  	s1 =	sld [smem:$0x3FFE];
	_ =	sdelay $0x3  }
0x8a: {  	s0 =	sadd.s32 s1, s0  }
0x8b: {  	[smem:$0x3FC5] =	sst s0  }
0x8c: {  	_ = 	snop  }
0x8d: {  	s0 =	sld [smem:$0x3FC8]  }
0x8e: {  	s16 =	sld [smem:$0x3FC7];
	(tm) =	ssettm $0x1  }
0x8f: {  	s2 =	sld [smem:$0x3FFB];
	_ =	sdelay $0x3  }
0x90: {  	_ =	strace s2  }
0x91: {  	s2 =	sld [smem:$0x3FFC];
	_ =	sdelay $0x3  }
0x92: {  	_ =	strace s2  }
0x93: {  	s2 =	sld [smem:$0x3FFD];
	_ =	sdelay $0x3  }
0x94: {  	_ =	strace s2  }
0x95: {  	_ =	strace $0x8FFFFFFF  }
0x96: {  	s17 =	sld [smem:$0x3FDB];
	_ =	sdelay $0x1  }
0x97: {  	s3 =	simm.s32 $_scs_section_size  }
0x98: {  	s4 =	simm.s32 $_size__tile_overlayer_lowered;
	s5 =	simm.s32 $_tile_overlayer_lowered  }
0x99: {  	s20 =	simm.s32 $0x1BFF;
	s19 =	sshll.u32 s5, $0x1;
	s2 =	sadd.s32 s3, s17  }
0x9a: {  	s6 =	simm.s32 $0x0;
	s18 =	sshll.u32 s4, $0x1;
	s4 =	sadd.s32 s19, s2  }
0x9b: {  	[timem:s6], [sflag:s20] =	dma.local [hbm:s4], s18  }
0x9c: {  	_ =	swait.ge [sflag:s20], s18  }
0x9d: {  	s3 =	ssub.s32 $0x0, s18;
	[sflag:s20] =	ssyncset.done $0x0  }
0x9e: {  	[sflag:s20] =	ssyncadd.s32 s3;
	_ =	sdelay $0x1  }
0x9f: {  	s21 =	simm.s32 $0x1B8B  }
0xa0: {  	_ =	swait.ge [sflag:s21], $0x1  }
0xa1: {  	[sflag:s21] =	ssyncset.done $0x0  }
0xa2: {  	s23 =	simm.s32 $0x1B8E;
	s22 =	sld [smem:$0x3FFE];
	[sflag:s21] =	ssyncadd.s32 $0xFFFFFFFF  }
0xa3: {  	s24 =	simm.s32 $execute0_lowered;
	[smem:$0x3FD2] =	sst s23  }
0xa4: {  	s4 =	sshll.u32 s24, $0x1;
	_ =	strace $0x80000046;
	[dreg:$0x1] =	wrdreg $0xFFFFFFFF  }
0xa5: {  	s25 =	simm.s32 $_size_execute0_lowered;
	s2 =	sadd.s32 s2, s4;
	[dreg:$0x0] =	wrdreg $0x0  }
0xa6: {  	s4 =	sshll.u32 s25, $0x1;
	[dreg:$0x2] =	wrdreg s2  }
0xa7: {  	[dreg:$0x3] =	wrdreg s4  }
0xa8: {  	[dreg:$0x4] =	wrdreg $0xC0  }
0xa9: {  	_ =	task [dreg:s6], $0x5FFFF  }
0xaa: {  	[dreg:$0x1] =	wrdreg $0xFFFFFFFF  }
0xab: {  	[dreg:$0x0] =	wrdreg $0x60  }
0xac: {  	[dreg:$0x2] =	wrdreg s0  }
0xad: {  	[dreg:$0x3] =	wrdreg s16  }
0xae: {  	[dreg:$0x4] =	wrdreg s22  }
0xaf: {  	[dreg:$0x5] =	wrdreg $0x16800  }
0xb0: {  	[dreg:$0x6] =	wrdreg $0x9  }
0xb1: {  	_ =	task.clear_ibuf [dreg:s6], $0x7FFFF;
	_ =	strace $0x90000046  }
0xb2: {  	s26 =	simm.s32 $0x9;
	_ =	strace $0x80000048  }
0xb3: {  	_ =	swait.ge [sflag:s26], $0x1  }
0xb4: {  	[sflag:s26] =	ssyncadd.s32 $0xFFFFFFFF  }
0xb5: {  	_ =	strace $0x90000048  }
0xb6: {  	_ =	sfence  }
0xb7: {  	s28 =	sld [smem:$0x0];
	_ =	sdelay $0x1  }
0xb8: {  	s29 =	srdreg.scid  }
0xb9: {  	s30 =	sshll.u32 s29, $0xD;
	s31 =	sshrl.u32 s29, $0x2  }
0xba: {  	s1 =	sand.u32 $0x1, s29;
	s2 =	sand.u32 $0x4000, s30;
	s0 =	sadd.s32 s31, s28  }
0xbb: {  	s1 =	sor.u32 s2, s1;
	s0 =	sshll.u32 s0, $0x11  }
0xbc: {  	s0 =	sor.u32 s0, s1  }
0xbd: {  	s0 =	sadd.s32 $0x8F2B, s0  }
0xbe: {  	[sflag:s0] =	ssyncadd.remote.s32 $0x1  }
0xbf: {  	_ =	sfence.sel $0xFFFF  }
0xc0: {  	[dreg:$0x0] =	wrdreg $0xFFFFFFFF;
	(pc) =	sbr.abs _section_cstart, $3  }
0xc1: {  	[dreg:$0x1] =	wrdreg $0xFFFFFFFF  }
0xc2: {  	_ =	task.clear_ibuf [dreg:s6], $0x2FFFF;
	_ =	strace $0x9FFFFFFF  }
0xc3: {  	(tm) =	ssettm $0x7FFFFFFF  }
tec
execute0_lowered:
.L_overlay_start_1:
0x0: {  	(tag) =	ssettag $0x1  }
0x1: {  	s6 =	rddreg [dreg:$0x0]  }
0x2: {  	s7 =	rddreg [dreg:$0x1]  }
0x3: {  	s4 =	rddreg [dreg:$0x2]  }
0x4: {  	s3 =	rddreg [dreg:$0x3]  }
0x5: {  	s0 =	rddreg [dreg:$0x4];
	s5 =	simm.s32 $0x0;
	s1 =	stileid.u32  }
0x6: {  	[smem:$0x7FF] =	sst s5;
	s2 =	sshll.u32 s1, $0x7  }
0x7: {  	s25 =	simm.s32 $0x1;
	_ =	strace $0x80000047;
	s6 =	sadd.s32 s6, s2  }
0x8: {  	[tilespmem:s5], [sflag:$0x1] =	stream.linear.gather [hbm4b:s6+s5], $0x400, $0x38;
	[tilespmem:$0x1880] =	vst v63  }
0x9: {  	_ =	swait.ge [sflag:s25], $0x400  }
0xa: {  	[sflag:s25] =	ssyncset.done $0x0  }
0xb: {  	s8 =	simm.s32 $0x400;
	s7 =	sadd.s32 s7, s2;
	[sflag:s25] =	ssyncadd.s32 $0xFFFFFC00  }
0xc: {  	[tilespmem:s8], [sflag:$0x1] =	stream.linear.gather [hbm4b:s7+s5], $0x400, $0x38;
	[tilespmem:$0x1880] =	vst v63  }
0xd: {  	_ =	swait.ge [sflag:s25], $0x400  }
0xe: {  	[sflag:s25] =	ssyncset.done $0x0  }
0xf: {  	v0 =	vimm.f32 $1.000000000e+00;
	[sflag:s25] =	ssyncadd.s32 $0xFFFFFC00  }
0x10: {  	[tilespmem:$0xC00] =	vst v0  }
0x11: {  	[tilespmem:$0xC10] =	vst v0  }
0x12: {  	[tilespmem:$0xC20] =	vst v0  }
0x13: {  	[tilespmem:$0xC30] =	vst v0  }
0x14: {  	[tilespmem:$0xC40] =	vst v0  }
0x15: {  	[tilespmem:$0xC50] =	vst v0  }
0x16: {  	[tilespmem:$0xC60] =	vst v0  }
0x17: {  	v62 =	vimm.f32 $0.0e+00;
	[tilespmem:$0xC70] =	vst v0  }
0x18: {  	[tilespmem:$0xC80] =	vst v62  }
0x19: {  	[tilespmem:$0xC90] =	vst v62  }
0x1a: {  	[tilespmem:$0xCA0] =	vst v62  }
0x1b: {  	[tilespmem:$0xCB0] =	vst v62  }
0x1c: {  	[tilespmem:$0xCC0] =	vst v62  }
0x1d: {  	[tilespmem:$0xCD0] =	vst v62  }
0x1e: {  	[tilespmem:$0xCE0] =	vst v62  }
0x1f: {  	[tilespmem:$0xCF0] =	vst v62  }
0x20: {  	[tilespmem:$0xD00] =	vst v62  }
0x21: {  	[tilespmem:$0xD10] =	vst v62  }
0x22: {  	[tilespmem:$0xD20] =	vst v62  }
0x23: {  	[tilespmem:$0xD30] =	vst v62  }
0x24: {  	[tilespmem:$0xD40] =	vst v62  }
0x25: {  	[tilespmem:$0xD50] =	vst v62  }
0x26: {  	[tilespmem:$0xD60] =	vst v62  }
0x27: {  	[tilespmem:$0xD70] =	vst v62  }
0x28: {  	[tilespmem:$0xD80] =	vst v62  }
0x29: {  	[tilespmem:$0xD90] =	vst v62  }
0x2a: {  	[tilespmem:$0xDA0] =	vst v62  }
0x2b: {  	[tilespmem:$0xDB0] =	vst v62  }
0x2c: {  	[tilespmem:$0xDC0] =	vst v62  }
0x2d: {  	[tilespmem:$0xDD0] =	vst v62  }
0x2e: {  	[tilespmem:$0xDE0] =	vst v62  }
0x2f: {  	[tilespmem:$0xDF0] =	vst v62  }
0x30: {  	[tilespmem:$0xE00] =	vst v62  }
0x31: {  	[tilespmem:$0xE10] =	vst v62  }
0x32: {  	[tilespmem:$0xE20] =	vst v62  }
0x33: {  	[tilespmem:$0xE30] =	vst v62  }
0x34: {  	[tilespmem:$0xE40] =	vst v62  }
0x35: {  	[tilespmem:$0xE50] =	vst v62  }
0x36: {  	s26 =	sshll.u32 s1, $0x9;
	[tilespmem:$0xE60] =	vst v62  }
0x37: {  	s28 =	simm.s32 $0xC80;
	s7 =	sadd.s32 s26, s3;
	[tilespmem:$0xE70] =	vst v62  }
0x38: {  	[spmem:s7] =	stream.linear.scatter [tilespmem:s28], [sflag:$0x1], $0x200, $0x38;
	[tilespmem:$0x1880] =	vst v63  }
0x39: {  	_ =	swait.ge [sflag:s25], $0x200  }
0x3a: {  	[sflag:s25] =	ssyncset.done $0x0  }
0x3b: {  	s29 =	simm.s32 $0x0;
	[sflag:s25] =	ssyncadd.s32 $0xFFFFFE00  }
0x3c: {  	v63 =	vld [tilespmem:s29+$0x0]  }
0x3d: {  	v1 =	vld [tilespmem:s29+$0x400];
	_ =	sdelay $0x2  }
0x3e: {  	s30 =	sand.u32 $0xE00, s5  }
0x3f: {  	s31 =	sand.u32 $0x70, s5;
	s6 =	sshrl.u32 s30, $0x2;
	v0 =	vshll.u32 v63, $0x3  }
0x40: {  	s4 =	sadd.s32 $0x800, s4;
	s9 =	sor.u32 s31, s6;
	v0 =	vadd.s32 v1, v0  }
0x41: {  	s6 =	simm.s32 $0x40;
	s8 =	simm.s32 $0x10;
	s7 =	simm.s32 $0x80;
	[tilespmem:s9+$0x800] =	vst v0  }
.LBB2_1:
0x42: {  	p0 =	sne.s32 s7, $0xFC0;
	v0 =	vld [tilespmem:s8+$0x0]  }
0x43: {  	v1 =	vld [tilespmem:s8+$0x400];
	_ =	sdelay $0x1  }
.Ltmp0:
0x44: {  	(pc) =	sbr.rel @p0 .LBB2_1-.Ltmp0, $4  }
0x45: {  	s5 =	sadd.s32 $0x10, s5;
	s8 =	sand.u32 $0xE00, s6;
	s6 =	smov.u32 s7  }
0x46: {  	s9 =	sand.u32 $0x70, s5;
	s8 =	sshrl.u32 s8, $0x2;
	v0 =	vshll.u32 v0, $0x3  }
0x47: {  	s9 =	sor.u32 s9, s8;
	v0 =	vadd.s32 v1, v0  }
0x48: {  	s7 =	sadd.s32 $0x40, s7;
	s8 =	sshra.s32 s6, $0x2;
	[tilespmem:s9+$0x800] =	vst v0  }
0x49: {  	v0 =	vld [tilespmem:s8+$0x0]  }
0x4a: {  	v1 =	vld [tilespmem:s8+$0x400];
	_ =	sdelay $0x2  }
0x4b: {  	s6 =	sand.u32 $0xE00, s6;
	s5 =	sadd.s32 $0x10, s5  }
0x4c: {  	s5 =	sand.u32 $0x70, s5;
	s6 =	sshrl.u32 s6, $0x2;
	v0 =	vshll.u32 v0, $0x3  }
0x4d: {  	s5 =	sor.u32 s5, s6;
	v0 =	vadd.s32 v1, v0  }
0x4e: {  	s18 =	simm.s32 $0x80;
	s7 =	simm.s32 $0x800;
	[tilespmem:s5+$0x800] =	vst v0  }
0x4f: {  	s19 =	simm.s32 $0xC00;
	s20 =	simm.s32 $0x1;
	[bflag:$0x0] =	sbarrier.arrive $0xFFFF  }
0x50: {  	[spmem:s3] =	stream.indirect.scatter.add.f32 [tilespmem:s19], [sflag:$0x1], $0x1, s7, s18, $0xb8;
	[tilespmem:$0x1880] =	vst v63  }
0x51: {  	_ =	swait.ge [sflag:s20], $0x80  }
0x52: {  	[sflag:s20] =	ssyncset.done $0x0  }
0x53: {  	s9 =	simm.s32 $0x880;
	[sflag:s20] =	ssyncadd.s32 $0xFFFFFF80  }
0x54: {  	[spmem:s3] =	stream.indirect.scatter.add.f32 [tilespmem:s19], [sflag:$0x1], $0x1, s9, s18, $0xb8;
	[tilespmem:$0x1880] =	vst v63  }
0x55: {  	_ =	swait.ge [sflag:s20], $0x80  }
0x56: {  	[sflag:s20] =	ssyncset.done $0x0  }
0x57: {  	s10 =	simm.s32 $0x900;
	[sflag:s20] =	ssyncadd.s32 $0xFFFFFF80  }
0x58: {  	[spmem:s3] =	stream.indirect.scatter.add.f32 [tilespmem:s19], [sflag:$0x1], $0x1, s10, s18, $0xb8;
	[tilespmem:$0x1880] =	vst v63  }
0x59: {  	_ =	swait.ge [sflag:s20], $0x80  }
0x5a: {  	[sflag:s20] =	ssyncset.done $0x0  }
0x5b: {  	s11 =	simm.s32 $0x980;
	[sflag:s20] =	ssyncadd.s32 $0xFFFFFF80  }
0x5c: {  	[spmem:s3] =	stream.indirect.scatter.add.f32 [tilespmem:s19], [sflag:$0x1], $0x1, s11, s18, $0xb8;
	[tilespmem:$0x1880] =	vst v63  }
0x5d: {  	_ =	swait.ge [sflag:s20], $0x80  }
0x5e: {  	[sflag:s20] =	ssyncset.done $0x0  }
0x5f: {  	s12 =	simm.s32 $0xA00;
	[sflag:s20] =	ssyncadd.s32 $0xFFFFFF80  }
0x60: {  	[spmem:s3] =	stream.indirect.scatter.add.f32 [tilespmem:s19], [sflag:$0x1], $0x1, s12, s18, $0xb8;
	[tilespmem:$0x1880] =	vst v63  }
0x61: {  	_ =	swait.ge [sflag:s20], $0x80  }
0x62: {  	[sflag:s20] =	ssyncset.done $0x0  }
0x63: {  	s13 =	simm.s32 $0xA80;
	[sflag:s20] =	ssyncadd.s32 $0xFFFFFF80  }
0x64: {  	[spmem:s3] =	stream.indirect.scatter.add.f32 [tilespmem:s19], [sflag:$0x1], $0x1, s13, s18, $0xb8;
	[tilespmem:$0x1880] =	vst v63  }
0x65: {  	_ =	swait.ge [sflag:s20], $0x80  }
0x66: {  	[sflag:s20] =	ssyncset.done $0x0  }
0x67: {  	s14 =	simm.s32 $0xB00;
	[sflag:s20] =	ssyncadd.s32 $0xFFFFFF80  }
0x68: {  	[spmem:s3] =	stream.indirect.scatter.add.f32 [tilespmem:s19], [sflag:$0x1], $0x1, s14, s18, $0xb8;
	[tilespmem:$0x1880] =	vst v63  }
0x69: {  	_ =	swait.ge [sflag:s20], $0x80  }
0x6a: {  	[sflag:s20] =	ssyncset.done $0x0  }
0x6b: {  	s15 =	simm.s32 $0xB80;
	[sflag:s20] =	ssyncadd.s32 $0xFFFFFF80  }
0x6c: {  	[spmem:s3] =	stream.indirect.scatter.add.f32 [tilespmem:s19], [sflag:$0x1], $0x1, s15, s18, $0xb8;
	[tilespmem:$0x1880] =	vst v63  }
0x6d: {  	_ =	swait.ge [sflag:s20], $0x80  }
0x6e: {  	[sflag:s20] =	ssyncset.done $0x0  }
0x6f: {  	[sflag:s20] =	ssyncadd.s32 $0xFFFFFF80  }
0x70: {  	s21 =	simm.s32 $0xE80;
	[bflag:$0x0] =	sbarrier.arrive $0xFFFF  }
0x71: {  	[tilespmem:s21], [sflag:$0x1] =	stream.indirect.gather [spmem:s3], $0x1, s7, s18, $0xb8;
	[tilespmem:$0x1880] =	vst v63  }
0x72: {  	_ =	swait.ge [sflag:s20], $0x80  }
0x73: {  	[sflag:s20] =	ssyncset.done $0x0  }
0x74: {  	s22 =	simm.s32 $0xF00;
	[sflag:s20] =	ssyncadd.s32 $0xFFFFFF80  }
0x75: {  	[tilespmem:s22], [sflag:$0x1] =	stream.indirect.gather [spmem:s3], $0x1, s9, s18, $0xb8;
	[tilespmem:$0x1880] =	vst v63  }
0x76: {  	_ =	swait.ge [sflag:s20], $0x80  }
0x77: {  	[sflag:s20] =	ssyncset.done $0x0  }
0x78: {  	s23 =	simm.s32 $0xF80;
	[sflag:s20] =	ssyncadd.s32 $0xFFFFFF80  }
0x79: {  	[tilespmem:s23], [sflag:$0x1] =	stream.indirect.gather [spmem:s3], $0x1, s10, s18, $0xb8;
	[tilespmem:$0x1880] =	vst v63  }
0x7a: {  	_ =	swait.ge [sflag:s20], $0x80  }
0x7b: {  	[sflag:s20] =	ssyncset.done $0x0  }
0x7c: {  	s24 =	simm.s32 $0x1000;
	[sflag:s20] =	ssyncadd.s32 $0xFFFFFF80  }
0x7d: {  	[tilespmem:s24], [sflag:$0x1] =	stream.indirect.gather [spmem:s3], $0x1, s11, s18, $0xb8;
	[tilespmem:$0x1880] =	vst v63  }
0x7e: {  	_ =	swait.ge [sflag:s20], $0x80  }
0x7f: {  	[sflag:s20] =	ssyncset.done $0x0  }
0x80: {  	s25 =	simm.s32 $0x1080;
	[sflag:s20] =	ssyncadd.s32 $0xFFFFFF80  }
0x81: {  	[tilespmem:s25], [sflag:$0x1] =	stream.indirect.gather [spmem:s3], $0x1, s12, s18, $0xb8;
	[tilespmem:$0x1880] =	vst v63  }
0x82: {  	_ =	swait.ge [sflag:s20], $0x80  }
0x83: {  	[sflag:s20] =	ssyncset.done $0x0  }
0x84: {  	s26 =	simm.s32 $0x1100;
	[sflag:s20] =	ssyncadd.s32 $0xFFFFFF80  }
0x85: {  	[tilespmem:s26], [sflag:$0x1] =	stream.indirect.gather [spmem:s3], $0x1, s13, s18, $0xb8;
	[tilespmem:$0x1880] =	vst v63  }
0x86: {  	_ =	swait.ge [sflag:s20], $0x80  }
0x87: {  	[sflag:s20] =	ssyncset.done $0x0  }
0x88: {  	s28 =	simm.s32 $0x1180;
	[sflag:s20] =	ssyncadd.s32 $0xFFFFFF80  }
0x89: {  	[tilespmem:s28], [sflag:$0x1] =	stream.indirect.gather [spmem:s3], $0x1, s14, s18, $0xb8;
	[tilespmem:$0x1880] =	vst v63  }
0x8a: {  	_ =	swait.ge [sflag:s20], $0x80  }
0x8b: {  	[sflag:s20] =	ssyncset.done $0x0  }
0x8c: {  	s29 =	simm.s32 $0x1200;
	s30 =	simm.s32 $0x0;
	[sflag:s20] =	ssyncadd.s32 $0xFFFFFF80  }
0x8d: {  	[tilespmem:s29], [sflag:$0x1] =	stream.indirect.gather [spmem:s3], $0x1, s15, s18, $0xb8;
	[tilespmem:$0x1880] =	vst v63  }
0x8e: {  	s31 =	sand.u32 $0xE00, s30;
	_ =	swait.ge [sflag:s20], $0x80  }
0x8f: {  	s6 =	sshrl.u32 s31, $0x2;
	s3 =	sand.u32 $0x70, s30;
	[sflag:s20] =	ssyncset.done $0x0  }
0x90: {  	s3 =	sor.u32 s3, s6;
	[sflag:s20] =	ssyncadd.s32 $0xFFFFFF80  }
0x91: {  	v63 =	vld [tilespmem:s3+$0xE80];
	_ =	sdelay $0x4  }
0x92: {  	(erf) = vrcp.f32 v63;
	_ =	sdelay $0x6  }
0x93: {  	s5 =	simm.s32 $0x10;
	s3 =	simm.s32 $0x40  }
0x94: {  	s7 =	simm.s32 $0x0;
	s6 =	simm.s32 $0x80;
	s8 =	sand.u32 $0xE00, s3  }
.LBB2_3:
0x95: {  	p0 =	sne.s32 s6, $0xFC0;
	s9 =	sand.u32 $0x70, s5;
	s8 =	sshrl.u32 s8, $0x2;
	v0 =	vpop (erf)  }
0x96: {  	s8 =	sor.u32 s9, s8;
	[tilespmem:s7+$0x1280] =	vst v0;
	s7 =	smov.u32 s3;
	s3 =	smov.u32 s6  }
0x97: {  	v0 =	vld [tilespmem:s8+$0xE80];
	_ =	sdelay $0x4  }
0x98: {  	(erf) = vrcp.f32 v0;
	_ =	sdelay $0x3  }
.Ltmp1:
0x99: {  	(pc) =	sbr.rel @p0 .LBB2_3-.Ltmp1, $3  }
0x9a: {  	_ =	sdelay $0x1  }
0x9b: {  	s5 =	sadd.s32 $0x10, s5  }
0x9c: {  	s6 =	sadd.s32 $0x40, s6;
	s8 =	sand.u32 $0xE00, s3;
	s7 =	sshra.s32 s7, $0x2  }
0x9d: {  	s5 =	sand.u32 $0x70, s5;
	s6 =	sshrl.u32 s8, $0x2;
	v0 =	vpop (erf)  }
0x9e: {  	s5 =	sor.u32 s5, s6;
	[tilespmem:s7+$0x1280] =	vst v0  }
0x9f: {  	v0 =	vld [tilespmem:s5+$0xE80];
	_ =	sdelay $0x4  }
0xa0: {  	(erf) = vrcp.f32 v0;
	_ =	sdelay $0x8  }
0xa1: {  	s3 =	sshra.s32 s3, $0x2;
	s2 =	sadd.s32 s4, s2;
	v0 =	vpop (erf)  }
0xa2: {  	s29 =	simm.s32 $0x0;
	s30 =	simm.s32 $0x1280;
	s31 =	simm.s32 $0x1;
	[tilespmem:s3+$0x1280] =	vst v0  }
0xa3: {  	[hbm4b:s2+s29] =	stream.linear.scatter [tilespmem:s30], [sflag:$0x1], $0x400, $0x38;
	[tilespmem:$0x1880] =	vst v63  }
0xa4: {  	_ =	swait.ge [sflag:s31], $0x400  }
0xa5: {  	[sflag:s31] =	ssyncset.done $0x0  }
0xa6: {  	[sflag:s31] =	ssyncadd.s32 $0xFFFFFC00  }
0xa7: {  	_ =	sfence.sel $0x180000  }
0xa8: {  	[bflag:$0x0] =	sbarrier.arrive $0xFFFF  }
0xa9: {  	p0 =	sne.s32 s1, $0x0;
	_ =	strace $0x90000047  }
0xaa: {  	s0 =	sadd.s32 @!p0 $0x100000, s0;
	[bflag:$0x2] =	sbarrier.arrive $0xFFFF  }
0xab: {  	[sflag:s0] =	ssyncadd.tile.s32 @!p0 $0x1;
	_ =	shalt  }
.Lfunc_end2:
_tile_overlayer_lowered:
.L_overlay_start_2:
0xac: {  	(tag) =	ssettag $0x2  }
0xad: {  	s0 =	rddreg [dreg:$0x0];
	s2 =	stileid.u32  }
0xae: {  	s1 =	rddreg [dreg:$0x1];
	p0 =	sne.s32 s2, $0x0  }
0xaf: {  	s3 =	rddreg [dreg:$0x2];
	[bflag:$0x3] =	sbarrier.arrive $0xFFFF;
	s2 =	simm.s32 @!p0 $0x1C01  }
0xb0: {  	[timem:s3], [sflag:s2] =	dma.local @!p0 [hbm:s0], s1  }
0xb1: {  	s0 =	simm.s32 @!p0 $0x1  }
0xb2: {  	_ =	swait.ge @!p0 [sflag:s0], s1  }
0xb3: {  	s1 =	ssub.s32 @!p0 $0x0, s1;
	[sflag:s0] =	ssyncset.done @!p0 $0x0  }
0xb4: {  	[sflag:s0] =	ssyncadd.s32 @!p0 s1  }
0xb5: {  	[bflag:$0x3] =	sbarrier.arrive $0xFFFF  }
0xb6: {  	_ =	shalt  }

</sc_bundles>
